<compile_context>
chip_gen: v7x
topology: tpu7x:2x2x1
jax: 0.10.2.dev20260603
libtpu: 0.0.44.dev20260713+nightly
codegen_flags: <defaults>
</compile_context>

<pallas_src>
import functools

import jax
import jax.numpy as jnp
from jax import lax
from jax.experimental import pallas as pl
from jax.experimental.pallas import tpu as pltpu
from jax.experimental.pallas import tpu_sc as plsc

DIM = 64
L = 16

_GATHER_DN = lax.GatherDimensionNumbers(
    offset_dims=(), collapsed_slice_dims=(0,), start_index_map=(0,))


def _shuffle(v, idx):
  return lax.gather(v, idx[:, None], _GATHER_DN, slice_sizes=(1,),
                    mode=lax.GatherScatterMode.PROMISE_IN_BOUNDS)


def _sc_body(xy_hbm, at_hbm, bt_hbm, c1_hbm, c2_hbm, out_hbm,
             xi_v, col_ab, c_ab, out_v, sem):
  cid = lax.axis_index("c")
  sid = lax.axis_index("s")

  @pl.when(jnp.logical_and(cid == 0, sid == 0))
  def _():
    pltpu.sync_copy(xy_hbm, xi_v.at[pl.ds(0, 2)])
    iv = xi_v[...]
    xs = iv[0]
    ys = iv[1]
    xt = pl.multiple_of((xs // 128) * 128, 128)
    yt = pl.multiple_of((ys // 128) * 128, 128)
    col_a = col_ab.at[0]
    col_b = col_ab.at[1]
    d0 = pltpu.make_async_copy(at_hbm.at[:, pl.ds(xt, 128)], col_a, sem)
    d1 = pltpu.make_async_copy(bt_hbm.at[:, pl.ds(yt, 128)], col_b, sem)
    d2 = pltpu.make_async_copy(c1_hbm.at[:, pl.ds(xt, 128)],
                               c_ab.at[pl.ds(0, 1)], sem)
    d3 = pltpu.make_async_copy(c2_hbm.at[:, pl.ds(yt, 128)],
                               c_ab.at[pl.ds(1, 1)], sem)
    d0.start()
    d1.start()
    d2.start()
    d3.start()
    d0.wait()
    d1.wait()
    d2.wait()
    d3.wait()

    ii = lax.iota(jnp.int32, L)
    xa = jnp.full((L,), xs - xt, jnp.int32)
    ya = jnp.full((L,), ys - yt, jnp.int32)
    acc = jnp.zeros((L,), jnp.float32)
    for i in range(DIM // L):
      av = plsc.load_gather(col_a, [ii + (i * L), xa])
      bv = plsc.load_gather(col_b, [ii + (i * L), ya])
      acc = acc + av * bv

    zz = jnp.zeros((L,), jnp.int32)
    cx = plsc.load_gather(c_ab, [zz, xa])
    cy = plsc.load_gather(c_ab, [zz + 1, ya])
    zero = jnp.zeros((L,), jnp.float32)
    s = acc + jnp.where(ii == 0, cx + cy, zero)
    for k in (8, 4, 2, 1):
      s = s + _shuffle(s, ii ^ k)
    out_v[...] = s
    pltpu.sync_copy(out_v.at[pl.ds(0, 1)], out_hbm)


_sc_kernel = functools.partial(
    pl.kernel,
    out_type=jax.ShapeDtypeStruct((1,), jnp.float32),
    mesh=plsc.VectorSubcoreMesh(core_axis_name="c", subcore_axis_name="s",
                                num_cores=1, num_subcores=1),
    scratch_types=[
        pltpu.VMEM((L,), jnp.int32),
        pltpu.VMEM((2, DIM, 128), jnp.float32),
        pltpu.VMEM((2, 128), jnp.float32),
        pltpu.VMEM((L,), jnp.float32),
        pltpu.SemaphoreType.DMA,
    ],
    compiler_params=pltpu.CompilerParams(
        use_tc_tiling_on_sc=True,
        needs_layout_passes=False,
        disable_bounds_checks=True,
        disable_semaphore_checks=True,
        skip_device_barrier=True,
    ),
)(_sc_body)


def kernel(x, y, A, B, c1, c2):
  xy = jnp.stack([jnp.asarray(x, jnp.int32), jnp.asarray(y, jnp.int32)])
  return _sc_kernel(xy, A.T, B.T, c1.T, c2.T)

# --- scband reference (transcript-rebuilt; emitter-appended) ---
"""Pipeline reference for scband-matrix-factorize-16363825397955 (READ-ONLY COPY).

The authoritative reference and input builder live on the scoring server;
editing this copy changes nothing except your own understanding.
"""

import jax, jax.numpy as jnp
import numpy as np

X_ROWS = 100000
Y_ROWS = 100000
DIM = 64


def setup_inputs(seed: int = 0) -> dict:
    key = jax.random.key(seed)
    k1, k2, k3, k4 = jax.random.split(key, 4)
    return {
        "x": 12345,
        "y": 54321,
        "A": jax.random.normal(k1, (X_ROWS, DIM), dtype=jnp.float32),
        "B": jax.random.normal(k2, (Y_ROWS, DIM), dtype=jnp.float32),
        "c1": jax.random.normal(k3, (X_ROWS, 1), dtype=jnp.float32),
        "c2": jax.random.normal(k4, (Y_ROWS, 1), dtype=jnp.float32),
    }


def reference(x, y, A, B, c1, c2):
    # Faithful translation of MatrixFactorize.forward for scalar indices x, y.
    idx_x = jnp.array([x], dtype=jnp.int32)
    idx_y = jnp.array([y], dtype=jnp.int32)
    A_x = jnp.take(A, idx_x, axis=0)      # [1, DIM]  (embedding gather)
    c_x = jnp.take(c1, idx_x, axis=0)     # [1, 1]
    B_y = jnp.take(B, idx_y, axis=0)      # [1, DIM]
    c_y = jnp.take(c2, idx_y, axis=0)     # [1, 1]
    output = jnp.matmul(A_x, B_y.T)       # [1, 1]
    output = output + c_x + c_y           # bias=True path
    return jnp.ravel(output)              # [1]

if __name__ == "__main__":
    import jax
    _d = setup_inputs()
    print(jax.jit(kernel)(*tuple(_d.values())))

</pallas_src>

<mosaic_0001>
#map = affine_map<(d0, d1) -> (0)>
#map1 = affine_map<(d0, d1) -> (0, 0)>
module attributes {stable_mosaic.version = 14 : i64} {
  func.func @_sc_body(%arg0: i32, %arg1: i32, %arg2: memref<2xi32, #tpu.memory_space<hbm>>, %arg3: memref<64x100000xf32, #tpu.memory_space<hbm>>, %arg4: memref<64x100000xf32, #tpu.memory_space<hbm>>, %arg5: memref<1x100000xf32, #tpu.memory_space<hbm>>, %arg6: memref<1x100000xf32, #tpu.memory_space<hbm>>, %arg7: memref<1xf32, #tpu.memory_space<hbm>>, %arg8: memref<16xi32, #tpu.memory_space<vmem>>, %arg9: memref<2x64x128xf32, #tpu.memory_space<vmem>>, %arg10: memref<2x128xf32, #tpu.memory_space<vmem>>, %arg11: memref<16xf32, #tpu.memory_space<vmem>>, %arg12: memref<!tpu.dma_semaphore, #tpu.memory_space<semaphore_mem>>) attributes {dimension_semantics = [#tpu.dimension_semantics<core_parallel>, #tpu.dimension_semantics<subcore_parallel>], iteration_bounds = array<i64: 1, 1>, scalar_prefetch = 0 : i64, scratch_operands = 5 : i64, tpu.core_type = #tpu.core_type<sc_vector_subcore>, window_params = [{transform_indices = #map}, {transform_indices = #map1}, {transform_indices = #map1}, {transform_indices = #map1}, {transform_indices = #map1}, {transform_indices = #map}]} {
    %eq3A = arith.constant 0 : i32
    %eq3A_0 = arith.cmpi eq, %arg0, %eq3A : i32
    %eq3A_1 = arith.constant 0 : i32
    %eq3A_2 = arith.cmpi eq, %arg1, %eq3A_1 : i32
    %and3A = arith.andi %eq3A_0, %eq3A_2 : i1
    %convert_element_type3A = arith.extui %and3A : i1 to i32
    %cond3A = arith.constant 0 : i32
    %cond3A_3 = arith.cmpi ne, %convert_element_type3A, %cond3A : i32
    scf.if %cond3A_3 {
      "tpu.region"() ({
        %run_scoped3A = tpu.sem_alloc : memref<!tpu.dma_semaphore, #tpu.memory_space<semaphore_mem>>
        %dma_start3A_268 = arith.constant 0 : i32
        %dma_start3A_269 = tpu.memref_slice %arg8[%dma_start3A_268] : memref<16xi32, #tpu.memory_space<vmem>> -> memref<2xi32, #tpu.memory_space<vmem>>
        %dma_start3A_270 = arith.constant 0 : i32
        %dma_start3A_271 = tpu.memref_slice %arg8[%dma_start3A_270] : memref<16xi32, #tpu.memory_space<vmem>> -> memref<2xi32, #tpu.memory_space<vmem>>
        tpu.enqueue_dma source(%arg2 : memref<2xi32, #tpu.memory_space<hbm>>) target(%dma_start3A_271 : memref<2xi32, #tpu.memory_space<vmem>>) target_semaphore(%run_scoped3A : memref<!tpu.dma_semaphore, #tpu.memory_space<semaphore_mem>>)
        %dma_wait3A_272 = arith.constant 0 : i32
        %dma_wait3A_273 = tpu.memref_slice %arg8[%dma_wait3A_272] : memref<16xi32, #tpu.memory_space<vmem>> -> memref<2xi32, #tpu.memory_space<vmem>>
        %dma_wait3A_274 = arith.constant 0 : i32
        %dma_wait3A_275 = tpu.memref_slice %arg8[%dma_wait3A_274] : memref<16xi32, #tpu.memory_space<vmem>> -> memref<2xi32, #tpu.memory_space<vmem>>
        tpu.wait_dma2 semaphore(%run_scoped3A : memref<!tpu.dma_semaphore, #tpu.memory_space<semaphore_mem>>) src(%arg2 : memref<2xi32, #tpu.memory_space<hbm>>) dst(%dma_wait3A_275 : memref<2xi32, #tpu.memory_space<vmem>>)
        tpu.yield
      }) : () -> ()
      %get3A = arith.constant 0 : index
      %get3A_4 = tpu.vector_load %arg8[%get3A] {strides = array<i32>} : memref<16xi32, #tpu.memory_space<vmem>>, vector<16xi32>,
      %slice3A = vector.extract_strided_slice %get3A_4 {offsets = [0], sizes = [1], strides = [1]} : vector<16xi32> to vector<1xi32>
      %squeeze3A = vector.extract %slice3A[0] : i32 from vector<1xi32>
      %slice3A_5 = vector.extract_strided_slice %get3A_4 {offsets = [1], sizes = [1], strides = [1]} : vector<16xi32> to vector<1xi32>
      %squeeze3A_6 = vector.extract %slice3A_5[0] : i32 from vector<1xi32>
      %jit3A = arith.constant 128 : i32
      %div3A = arith.divsi %squeeze3A, %jit3A : i32
      %sign3A = arith.constant 0 : i32
      %sign3A_7 = arith.cmpi sgt, %squeeze3A, %sign3A : i32
      %sign3A_8 = arith.extui %sign3A_7 : i1 to i32
      %sign3A_9 = arith.constant 0 : i32
      %sign3A_10 = arith.cmpi slt, %squeeze3A, %sign3A_9 : i32
      %sign3A_11 = arith.extui %sign3A_10 : i1 to i32
      %sign3A_12 = arith.subi %sign3A_8, %sign3A_11 : i32
      %sign3A_13 = arith.constant 0 : i32
      %sign3A_14 = arith.cmpi sgt, %jit3A, %sign3A_13 : i32
      %sign3A_15 = arith.extui %sign3A_14 : i1 to i32
      %sign3A_16 = arith.constant 0 : i32
      %sign3A_17 = arith.cmpi slt, %jit3A, %sign3A_16 : i32
      %sign3A_18 = arith.extui %sign3A_17 : i1 to i32
      %sign3A_19 = arith.subi %sign3A_15, %sign3A_18 : i32
      %ne3A = arith.cmpi ne, %sign3A_12, %sign3A_19 : i32
      %rem3A = arith.remsi %squeeze3A, %jit3A : i32
      %ne3A_20 = arith.constant 0 : i32
      %ne3A_21 = arith.cmpi ne, %rem3A, %ne3A_20 : i32
      %and3A_22 = arith.andi %ne3A, %ne3A_21 : i1
      %sub3A = arith.constant 1 : i32
      %sub3A_23 = arith.subi %div3A, %sub3A : i32
      %select_n3A = arith.select %and3A_22, %sub3A_23, %div3A : i32
      %mul3A = arith.constant 128 : i32
      %mul3A_24 = arith.muli %select_n3A, %mul3A : i32
      %multiple_of3A = tpu.assume_multiple %mul3A_24, 128 : i32
      %jit3A_25 = arith.constant 128 : i32
      %div3A_26 = arith.divsi %squeeze3A_6, %jit3A_25 : i32
      %sign3A_27 = arith.constant 0 : i32
      %sign3A_28 = arith.cmpi sgt, %squeeze3A_6, %sign3A_27 : i32
      %sign3A_29 = arith.extui %sign3A_28 : i1 to i32
      %sign3A_30 = arith.constant 0 : i32
      %sign3A_31 = arith.cmpi slt, %squeeze3A_6, %sign3A_30 : i32
      %sign3A_32 = arith.extui %sign3A_31 : i1 to i32
      %sign3A_33 = arith.subi %sign3A_29, %sign3A_32 : i32
      %sign3A_34 = arith.constant 0 : i32
      %sign3A_35 = arith.cmpi sgt, %jit3A_25, %sign3A_34 : i32
      %sign3A_36 = arith.extui %sign3A_35 : i1 to i32
      %sign3A_37 = arith.constant 0 : i32
      %sign3A_38 = arith.cmpi slt, %jit3A_25, %sign3A_37 : i32
      %sign3A_39 = arith.extui %sign3A_38 : i1 to i32
      %sign3A_40 = arith.subi %sign3A_36, %sign3A_39 : i32
      %ne3A_41 = arith.cmpi ne, %sign3A_33, %sign3A_40 : i32
      %rem3A_42 = arith.remsi %squeeze3A_6, %jit3A_25 : i32
      %ne3A_43 = arith.constant 0 : i32
      %ne3A_44 = arith.cmpi ne, %rem3A_42, %ne3A_43 : i32
      %and3A_45 = arith.andi %ne3A_41, %ne3A_44 : i1
      %sub3A_46 = arith.constant 1 : i32
      %sub3A_47 = arith.subi %div3A_26, %sub3A_46 : i32
      %select_n3A_48 = arith.select %and3A_45, %sub3A_47, %div3A_26 : i32
      %mul3A_49 = arith.constant 128 : i32
      %mul3A_50 = arith.muli %select_n3A_48, %mul3A_49 : i32
      %multiple_of3A_51 = tpu.assume_multiple %mul3A_50, 128 : i32
      %dma_start3A = arith.constant 0 : i32
      %dma_start3A_52 = arith.constant 0 : i32
      %dma_start3A_53 = arith.constant 0 : i32
      %dma_start3A_54 = tpu.memref_slice %arg9[%dma_start3A, %dma_start3A_52, %dma_start3A_53] : memref<2x64x128xf32, #tpu.memory_space<vmem>> -> memref<1x64x128xf32, #tpu.memory_space<vmem>>
      %dma_start3A_55 = tpu.memref_squeeze %dma_start3A_54 : memref<1x64x128xf32, #tpu.memory_space<vmem>> -> memref<64x128xf32, #tpu.memory_space<vmem>>
      %dma_start3A_56 = arith.constant 0 : i32
      %dma_start3A_57 = tpu.memref_slice %arg3[%dma_start3A_56, %multiple_of3A] : memref<64x100000xf32, #tpu.memory_space<hbm>> -> memref<64x128xf32, #tpu.memory_space<hbm>>
      %dma_start3A_58 = arith.constant 0 : i32
      %dma_start3A_59 = arith.constant 0 : i32
      %dma_start3A_60 = tpu.memref_slice %arg9[%dma_start3A, %dma_start3A_58, %dma_start3A_59] : memref<2x64x128xf32, #tpu.memory_space<vmem>> -> memref<1x64x128xf32, #tpu.memory_space<vmem>>
      %dma_start3A_61 = tpu.memref_squeeze %dma_start3A_60 : memref<1x64x128xf32, #tpu.memory_space<vmem>> -> memref<64x128xf32, #tpu.memory_space<vmem>>
      %dma_start3A_62 = arith.constant 0 : i32
      %dma_start3A_63 = tpu.memref_slice %arg3[%dma_start3A_62, %multiple_of3A] : memref<64x100000xf32, #tpu.memory_space<hbm>> -> memref<64x128xf32, #tpu.memory_space<hbm>>
      tpu.enqueue_dma source(%dma_start3A_63 : memref<64x128xf32, #tpu.memory_space<hbm>>) target(%dma_start3A_61 : memref<64x128xf32, #tpu.memory_space<vmem>>) target_semaphore(%arg12 : memref<!tpu.dma_semaphore, #tpu.memory_space<semaphore_mem>>)
      %dma_start3A_64 = arith.constant 1 : i32
      %dma_start3A_65 = arith.constant 0 : i32
      %dma_start3A_66 = arith.constant 0 : i32
      %dma_start3A_67 = tpu.memref_slice %arg9[%dma_start3A_64, %dma_start3A_65, %dma_start3A_66] : memref<2x64x128xf32, #tpu.memory_space<vmem>> -> memref<1x64x128xf32, #tpu.memory_space<vmem>>
      %dma_start3A_68 = tpu.memref_squeeze %dma_start3A_67 : memref<1x64x128xf32, #tpu.memory_space<vmem>> -> memref<64x128xf32, #tpu.memory_space<vmem>>
      %dma_start3A_69 = arith.constant 0 : i32
      %dma_start3A_70 = tpu.memref_slice %arg4[%dma_start3A_69, %multiple_of3A_51] : memref<64x100000xf32, #tpu.memory_space<hbm>> -> memref<64x128xf32, #tpu.memory_space<hbm>>
      %dma_start3A_71 = arith.constant 0 : i32
      %dma_start3A_72 = arith.constant 0 : i32
      %dma_start3A_73 = tpu.memref_slice %arg9[%dma_start3A_64, %dma_start3A_71, %dma_start3A_72] : memref<2x64x128xf32, #tpu.memory_space<vmem>> -> memref<1x64x128xf32, #tpu.memory_space<vmem>>
      %dma_start3A_74 = tpu.memref_squeeze %dma_start3A_73 : memref<1x64x128xf32, #tpu.memory_space<vmem>> -> memref<64x128xf32, #tpu.memory_space<vmem>>
      %dma_start3A_75 = arith.constant 0 : i32
      %dma_start3A_76 = tpu.memref_slice %arg4[%dma_start3A_75, %multiple_of3A_51] : memref<64x100000xf32, #tpu.memory_space<hbm>> -> memref<64x128xf32, #tpu.memory_space<hbm>>
      tpu.enqueue_dma source(%dma_start3A_76 : memref<64x128xf32, #tpu.memory_space<hbm>>) target(%dma_start3A_74 : memref<64x128xf32, #tpu.memory_space<vmem>>) target_semaphore(%arg12 : memref<!tpu.dma_semaphore, #tpu.memory_space<semaphore_mem>>)
      %dma_start3A_77 = arith.constant 0 : i32
      %dma_start3A_78 = arith.constant 0 : i32
      %dma_start3A_79 = tpu.memref_slice %arg10[%dma_start3A_77, %dma_start3A_78] : memref<2x128xf32, #tpu.memory_space<vmem>> -> memref<1x128xf32, #tpu.memory_space<vmem>>
      %dma_start3A_80 = arith.constant 0 : i32
      %dma_start3A_81 = tpu.memref_slice %arg5[%dma_start3A_80, %multiple_of3A] : memref<1x100000xf32, #tpu.memory_space<hbm>> -> memref<1x128xf32, #tpu.memory_space<hbm>>
      %dma_start3A_82 = arith.constant 0 : i32
      %dma_start3A_83 = arith.constant 0 : i32
      %dma_start3A_84 = tpu.memref_slice %arg10[%dma_start3A_82, %dma_start3A_83] : memref<2x128xf32, #tpu.memory_space<vmem>> -> memref<1x128xf32, #tpu.memory_space<vmem>>
      %dma_start3A_85 = arith.constant 0 : i32
      %dma_start3A_86 = tpu.memref_slice %arg5[%dma_start3A_85, %multiple_of3A] : memref<1x100000xf32, #tpu.memory_space<hbm>> -> memref<1x128xf32, #tpu.memory_space<hbm>>
      tpu.enqueue_dma source(%dma_start3A_86 : memref<1x128xf32, #tpu.memory_space<hbm>>) target(%dma_start3A_84 : memref<1x128xf32, #tpu.memory_space<vmem>>) target_semaphore(%arg12 : memref<!tpu.dma_semaphore, #tpu.memory_space<semaphore_mem>>)
      %dma_start3A_87 = arith.constant 1 : i32
      %dma_start3A_88 = arith.constant 0 : i32
      %dma_start3A_89 = tpu.memref_slice %arg10[%dma_start3A_87, %dma_start3A_88] : memref<2x128xf32, #tpu.memory_space<vmem>> -> memref<1x128xf32, #tpu.memory_space<vmem>>
      %dma_start3A_90 = arith.constant 0 : i32
      %dma_start3A_91 = tpu.memref_slice %arg6[%dma_start3A_90, %multiple_of3A_51] : memref<1x100000xf32, #tpu.memory_space<hbm>> -> memref<1x128xf32, #tpu.memory_space<hbm>>
      %dma_start3A_92 = arith.constant 1 : i32
      %dma_start3A_93 = arith.constant 0 : i32
      %dma_start3A_94 = tpu.memref_slice %arg10[%dma_start3A_92, %dma_start3A_93] : memref<2x128xf32, #tpu.memory_space<vmem>> -> memref<1x128xf32, #tpu.memory_space<vmem>>
      %dma_start3A_95 = arith.constant 0 : i32
      %dma_start3A_96 = tpu.memref_slice %arg6[%dma_start3A_95, %multiple_of3A_51] : memref<1x100000xf32, #tpu.memory_space<hbm>> -> memref<1x128xf32, #tpu.memory_space<hbm>>
      tpu.enqueue_dma source(%dma_start3A_96 : memref<1x128xf32, #tpu.memory_space<hbm>>) target(%dma_start3A_94 : memref<1x128xf32, #tpu.memory_space<vmem>>) target_semaphore(%arg12 : memref<!tpu.dma_semaphore, #tpu.memory_space<semaphore_mem>>)
      %dma_wait3A = arith.constant 0 : i32
      %dma_wait3A_97 = arith.constant 0 : i32
      %dma_wait3A_98 = arith.constant 0 : i32
      %dma_wait3A_99 = tpu.memref_slice %arg9[%dma_wait3A, %dma_wait3A_97, %dma_wait3A_98] : memref<2x64x128xf32, #tpu.memory_space<vmem>> -> memref<1x64x128xf32, #tpu.memory_space<vmem>>
      %dma_wait3A_100 = tpu.memref_squeeze %dma_wait3A_99 : memref<1x64x128xf32, #tpu.memory_space<vmem>> -> memref<64x128xf32, #tpu.memory_space<vmem>>
      %dma_wait3A_101 = arith.constant 0 : i32
      %dma_wait3A_102 = tpu.memref_slice %arg3[%dma_wait3A_101, %multiple_of3A] : memref<64x100000xf32, #tpu.memory_space<hbm>> -> memref<64x128xf32, #tpu.memory_space<hbm>>
      %dma_wait3A_103 = arith.constant 0 : i32
      %dma_wait3A_104 = arith.constant 0 : i32
      %dma_wait3A_105 = tpu.memref_slice %arg9[%dma_wait3A, %dma_wait3A_103, %dma_wait3A_104] : memref<2x64x128xf32, #tpu.memory_space<vmem>> -> memref<1x64x128xf32, #tpu.memory_space<vmem>>
      %dma_wait3A_106 = tpu.memref_squeeze %dma_wait3A_105 : memref<1x64x128xf32, #tpu.memory_space<vmem>> -> memref<64x128xf32, #tpu.memory_space<vmem>>
      %dma_wait3A_107 = arith.constant 0 : i32
      %dma_wait3A_108 = tpu.memref_slice %arg3[%dma_wait3A_107, %multiple_of3A] : memref<64x100000xf32, #tpu.memory_space<hbm>> -> memref<64x128xf32, #tpu.memory_space<hbm>>
      tpu.wait_dma2 semaphore(%arg12 : memref<!tpu.dma_semaphore, #tpu.memory_space<semaphore_mem>>) src(%dma_wait3A_108 : memref<64x128xf32, #tpu.memory_space<hbm>>) dst(%dma_wait3A_106 : memref<64x128xf32, #tpu.memory_space<vmem>>)
      %dma_wait3A_109 = arith.constant 1 : i32
      %dma_wait3A_110 = arith.constant 0 : i32
      %dma_wait3A_111 = arith.constant 0 : i32
      %dma_wait3A_112 = tpu.memref_slice %arg9[%dma_wait3A_109, %dma_wait3A_110, %dma_wait3A_111] : memref<2x64x128xf32, #tpu.memory_space<vmem>> -> memref<1x64x128xf32, #tpu.memory_space<vmem>>
      %dma_wait3A_113 = tpu.memref_squeeze %dma_wait3A_112 : memref<1x64x128xf32, #tpu.memory_space<vmem>> -> memref<64x128xf32, #tpu.memory_space<vmem>>
      %dma_wait3A_114 = arith.constant 0 : i32
      %dma_wait3A_115 = tpu.memref_slice %arg4[%dma_wait3A_114, %multiple_of3A_51] : memref<64x100000xf32, #tpu.memory_space<hbm>> -> memref<64x128xf32, #tpu.memory_space<hbm>>
      %dma_wait3A_116 = arith.constant 0 : i32
      %dma_wait3A_117 = arith.constant 0 : i32
      %dma_wait3A_118 = tpu.memref_slice %arg9[%dma_wait3A_109, %dma_wait3A_116, %dma_wait3A_117] : memref<2x64x128xf32, #tpu.memory_space<vmem>> -> memref<1x64x128xf32, #tpu.memory_space<vmem>>
      %dma_wait3A_119 = tpu.memref_squeeze %dma_wait3A_118 : memref<1x64x128xf32, #tpu.memory_space<vmem>> -> memref<64x128xf32, #tpu.memory_space<vmem>>
      %dma_wait3A_120 = arith.constant 0 : i32
      %dma_wait3A_121 = tpu.memref_slice %arg4[%dma_wait3A_120, %multiple_of3A_51] : memref<64x100000xf32, #tpu.memory_space<hbm>> -> memref<64x128xf32, #tpu.memory_space<hbm>>
      tpu.wait_dma2 semaphore(%arg12 : memref<!tpu.dma_semaphore, #tpu.memory_space<semaphore_mem>>) src(%dma_wait3A_121 : memref<64x128xf32, #tpu.memory_space<hbm>>) dst(%dma_wait3A_119 : memref<64x128xf32, #tpu.memory_space<vmem>>)
      %dma_wait3A_122 = arith.constant 0 : i32
      %dma_wait3A_123 = arith.constant 0 : i32
      %dma_wait3A_124 = tpu.memref_slice %arg10[%dma_wait3A_122, %dma_wait3A_123] : memref<2x128xf32, #tpu.memory_space<vmem>> -> memref<1x128xf32, #tpu.memory_space<vmem>>
      %dma_wait3A_125 = arith.constant 0 : i32
      %dma_wait3A_126 = tpu.memref_slice %arg5[%dma_wait3A_125, %multiple_of3A] : memref<1x100000xf32, #tpu.memory_space<hbm>> -> memref<1x128xf32, #tpu.memory_space<hbm>>
      %dma_wait3A_127 = arith.constant 0 : i32
      %dma_wait3A_128 = arith.constant 0 : i32
      %dma_wait3A_129 = tpu.memref_slice %arg10[%dma_wait3A_127, %dma_wait3A_128] : memref<2x128xf32, #tpu.memory_space<vmem>> -> memref<1x128xf32, #tpu.memory_space<vmem>>
      %dma_wait3A_130 = arith.constant 0 : i32
      %dma_wait3A_131 = tpu.memref_slice %arg5[%dma_wait3A_130, %multiple_of3A] : memref<1x100000xf32, #tpu.memory_space<hbm>> -> memref<1x128xf32, #tpu.memory_space<hbm>>
      tpu.wait_dma2 semaphore(%arg12 : memref<!tpu.dma_semaphore, #tpu.memory_space<semaphore_mem>>) src(%dma_wait3A_131 : memref<1x128xf32, #tpu.memory_space<hbm>>) dst(%dma_wait3A_129 : memref<1x128xf32, #tpu.memory_space<vmem>>)
      %dma_wait3A_132 = arith.constant 1 : i32
      %dma_wait3A_133 = arith.constant 0 : i32
      %dma_wait3A_134 = tpu.memref_slice %arg10[%dma_wait3A_132, %dma_wait3A_133] : memref<2x128xf32, #tpu.memory_space<vmem>> -> memref<1x128xf32, #tpu.memory_space<vmem>>
      %dma_wait3A_135 = arith.constant 0 : i32
      %dma_wait3A_136 = tpu.memref_slice %arg6[%dma_wait3A_135, %multiple_of3A_51] : memref<1x100000xf32, #tpu.memory_space<hbm>> -> memref<1x128xf32, #tpu.memory_space<hbm>>
      %dma_wait3A_137 = arith.constant 1 : i32
      %dma_wait3A_138 = arith.constant 0 : i32
      %dma_wait3A_139 = tpu.memref_slice %arg10[%dma_wait3A_137, %dma_wait3A_138] : memref<2x128xf32, #tpu.memory_space<vmem>> -> memref<1x128xf32, #tpu.memory_space<vmem>>
      %dma_wait3A_140 = arith.constant 0 : i32
      %dma_wait3A_141 = tpu.memref_slice %arg6[%dma_wait3A_140, %multiple_of3A_51] : memref<1x100000xf32, #tpu.memory_space<hbm>> -> memref<1x128xf32, #tpu.memory_space<hbm>>
      tpu.wait_dma2 semaphore(%arg12 : memref<!tpu.dma_semaphore, #tpu.memory_space<semaphore_mem>>) src(%dma_wait3A_141 : memref<1x128xf32, #tpu.memory_space<hbm>>) dst(%dma_wait3A_139 : memref<1x128xf32, #tpu.memory_space<vmem>>)
      %iota3A = tpu.iota {dimensions = array<i32: 0>} : vector<16xi32>
      %sub3A_142 = arith.subi %squeeze3A, %multiple_of3A : i32
      %broadcast_in_dim3A = vector.broadcast %sub3A_142 : i32 to vector<16xi32>
      %sub3A_143 = arith.subi %squeeze3A_6, %multiple_of3A_51 : i32
      %broadcast_in_dim3A_144 = vector.broadcast %sub3A_143 : i32 to vector<16xi32>
      %broadcast_in_dim3A_145 = arith.constant 0.000000e+00 : f32
      %broadcast_in_dim3A_146 = vector.broadcast %broadcast_in_dim3A_145 : f32 to vector<16xf32>
      %add3A = arith.constant 0 : i32
      %add3A_147 = vector.broadcast %add3A : i32 to vector<16xi32>
      %add3A_148 = arith.addi %iota3A, %add3A_147 : vector<16xi32>
      %gather3A = arith.constant 0 : i32
      %gather3A_149 = arith.constant 0 : i32
      %gather3A_150 = arith.constant 0 : i32
      %gather3A_151 = tpu.memref_slice %arg9[%gather3A, %gather3A_149, %gather3A_150] : memref<2x64x128xf32, #tpu.memory_space<vmem>> -> memref<1x64x128xf32, #tpu.memory_space<vmem>>
      %gather3A_152 = tpu.memref_squeeze %gather3A_151 : memref<1x64x128xf32, #tpu.memory_space<vmem>> -> memref<64x128xf32, #tpu.memory_space<vmem>>
      %gather3A_153 = tpu.vector_load_idx %gather3A_152[%add3A_148, %broadcast_in_dim3A] : memref<64x128xf32, #tpu.memory_space<vmem>>[vector<16xi32>, vector<16xi32>], vector<16xf32>,
      %add3A_154 = arith.constant 0 : i32
      %add3A_155 = vector.broadcast %add3A_154 : i32 to vector<16xi32>
      %add3A_156 = arith.addi %iota3A, %add3A_155 : vector<16xi32>
      %gather3A_157 = arith.constant 1 : i32
      %gather3A_158 = arith.constant 0 : i32
      %gather3A_159 = arith.constant 0 : i32
      %gather3A_160 = tpu.memref_slice %arg9[%gather3A_157, %gather3A_158, %gather3A_159] : memref<2x64x128xf32, #tpu.memory_space<vmem>> -> memref<1x64x128xf32, #tpu.memory_space<vmem>>
      %gather3A_161 = tpu.memref_squeeze %gather3A_160 : memref<1x64x128xf32, #tpu.memory_space<vmem>> -> memref<64x128xf32, #tpu.memory_space<vmem>>
      %gather3A_162 = tpu.vector_load_idx %gather3A_161[%add3A_156, %broadcast_in_dim3A_144] : memref<64x128xf32, #tpu.memory_space<vmem>>[vector<16xi32>, vector<16xi32>], vector<16xf32>,
      %mul3A_163 = arith.mulf %gather3A_153, %gather3A_162 : vector<16xf32>
      %add3A_164 = arith.addf %broadcast_in_dim3A_146, %mul3A_163 : vector<16xf32>
      %add3A_165 = arith.constant 16 : i32
      %add3A_166 = vector.broadcast %add3A_165 : i32 to vector<16xi32>
      %add3A_167 = arith.addi %iota3A, %add3A_166 : vector<16xi32>
      %gather3A_168 = arith.constant 0 : i32
      %gather3A_169 = arith.constant 0 : i32
      %gather3A_170 = arith.constant 0 : i32
      %gather3A_171 = tpu.memref_slice %arg9[%gather3A_168, %gather3A_169, %gather3A_170] : memref<2x64x128xf32, #tpu.memory_space<vmem>> -> memref<1x64x128xf32, #tpu.memory_space<vmem>>
      %gather3A_172 = tpu.memref_squeeze %gather3A_171 : memref<1x64x128xf32, #tpu.memory_space<vmem>> -> memref<64x128xf32, #tpu.memory_space<vmem>>
      %gather3A_173 = tpu.vector_load_idx %gather3A_172[%add3A_167, %broadcast_in_dim3A] : memref<64x128xf32, #tpu.memory_space<vmem>>[vector<16xi32>, vector<16xi32>], vector<16xf32>,
      %add3A_174 = arith.constant 16 : i32
      %add3A_175 = vector.broadcast %add3A_174 : i32 to vector<16xi32>
      %add3A_176 = arith.addi %iota3A, %add3A_175 : vector<16xi32>
      %gather3A_177 = arith.constant 1 : i32
      %gather3A_178 = arith.constant 0 : i32
      %gather3A_179 = arith.constant 0 : i32
      %gather3A_180 = tpu.memref_slice %arg9[%gather3A_177, %gather3A_178, %gather3A_179] : memref<2x64x128xf32, #tpu.memory_space<vmem>> -> memref<1x64x128xf32, #tpu.memory_space<vmem>>
      %gather3A_181 = tpu.memref_squeeze %gather3A_180 : memref<1x64x128xf32, #tpu.memory_space<vmem>> -> memref<64x128xf32, #tpu.memory_space<vmem>>
      %gather3A_182 = tpu.vector_load_idx %gather3A_181[%add3A_176, %broadcast_in_dim3A_144] : memref<64x128xf32, #tpu.memory_space<vmem>>[vector<16xi32>, vector<16xi32>], vector<16xf32>,
      %mul3A_183 = arith.mulf %gather3A_173, %gather3A_182 : vector<16xf32>
      %add3A_184 = arith.addf %add3A_164, %mul3A_183 : vector<16xf32>
      %add3A_185 = arith.constant 32 : i32
      %add3A_186 = vector.broadcast %add3A_185 : i32 to vector<16xi32>
      %add3A_187 = arith.addi %iota3A, %add3A_186 : vector<16xi32>
      %gather3A_188 = arith.constant 0 : i32
      %gather3A_189 = arith.constant 0 : i32
      %gather3A_190 = arith.constant 0 : i32
      %gather3A_191 = tpu.memref_slice %arg9[%gather3A_188, %gather3A_189, %gather3A_190] : memref<2x64x128xf32, #tpu.memory_space<vmem>> -> memref<1x64x128xf32, #tpu.memory_space<vmem>>
      %gather3A_192 = tpu.memref_squeeze %gather3A_191 : memref<1x64x128xf32, #tpu.memory_space<vmem>> -> memref<64x128xf32, #tpu.memory_space<vmem>>
      %gather3A_193 = tpu.vector_load_idx %gather3A_192[%add3A_187, %broadcast_in_dim3A] : memref<64x128xf32, #tpu.memory_space<vmem>>[vector<16xi32>, vector<16xi32>], vector<16xf32>,
      %add3A_194 = arith.constant 32 : i32
      %add3A_195 = vector.broadcast %add3A_194 : i32 to vector<16xi32>
      %add3A_196 = arith.addi %iota3A, %add3A_195 : vector<16xi32>
      %gather3A_197 = arith.constant 1 : i32
      %gather3A_198 = arith.constant 0 : i32
      %gather3A_199 = arith.constant 0 : i32
      %gather3A_200 = tpu.memref_slice %arg9[%gather3A_197, %gather3A_198, %gather3A_199] : memref<2x64x128xf32, #tpu.memory_space<vmem>> -> memref<1x64x128xf32, #tpu.memory_space<vmem>>
      %gather3A_201 = tpu.memref_squeeze %gather3A_200 : memref<1x64x128xf32, #tpu.memory_space<vmem>> -> memref<64x128xf32, #tpu.memory_space<vmem>>
      %gather3A_202 = tpu.vector_load_idx %gather3A_201[%add3A_196, %broadcast_in_dim3A_144] : memref<64x128xf32, #tpu.memory_space<vmem>>[vector<16xi32>, vector<16xi32>], vector<16xf32>,
      %mul3A_203 = arith.mulf %gather3A_193, %gather3A_202 : vector<16xf32>
      %add3A_204 = arith.addf %add3A_184, %mul3A_203 : vector<16xf32>
      %add3A_205 = arith.constant 48 : i32
      %add3A_206 = vector.broadcast %add3A_205 : i32 to vector<16xi32>
      %add3A_207 = arith.addi %iota3A, %add3A_206 : vector<16xi32>
      %gather3A_208 = arith.constant 0 : i32
      %gather3A_209 = arith.constant 0 : i32
      %gather3A_210 = arith.constant 0 : i32
      %gather3A_211 = tpu.memref_slice %arg9[%gather3A_208, %gather3A_209, %gather3A_210] : memref<2x64x128xf32, #tpu.memory_space<vmem>> -> memref<1x64x128xf32, #tpu.memory_space<vmem>>
      %gather3A_212 = tpu.memref_squeeze %gather3A_211 : memref<1x64x128xf32, #tpu.memory_space<vmem>> -> memref<64x128xf32, #tpu.memory_space<vmem>>
      %gather3A_213 = tpu.vector_load_idx %gather3A_212[%add3A_207, %broadcast_in_dim3A] : memref<64x128xf32, #tpu.memory_space<vmem>>[vector<16xi32>, vector<16xi32>], vector<16xf32>,
      %add3A_214 = arith.constant 48 : i32
      %add3A_215 = vector.broadcast %add3A_214 : i32 to vector<16xi32>
      %add3A_216 = arith.addi %iota3A, %add3A_215 : vector<16xi32>
      %gather3A_217 = arith.constant 1 : i32
      %gather3A_218 = arith.constant 0 : i32
      %gather3A_219 = arith.constant 0 : i32
      %gather3A_220 = tpu.memref_slice %arg9[%gather3A_217, %gather3A_218, %gather3A_219] : memref<2x64x128xf32, #tpu.memory_space<vmem>> -> memref<1x64x128xf32, #tpu.memory_space<vmem>>
      %gather3A_221 = tpu.memref_squeeze %gather3A_220 : memref<1x64x128xf32, #tpu.memory_space<vmem>> -> memref<64x128xf32, #tpu.memory_space<vmem>>
      %gather3A_222 = tpu.vector_load_idx %gather3A_221[%add3A_216, %broadcast_in_dim3A_144] : memref<64x128xf32, #tpu.memory_space<vmem>>[vector<16xi32>, vector<16xi32>], vector<16xf32>,
      %mul3A_223 = arith.mulf %gather3A_213, %gather3A_222 : vector<16xf32>
      %add3A_224 = arith.addf %add3A_204, %mul3A_223 : vector<16xf32>
      %broadcast_in_dim3A_225 = arith.constant 0 : i32
      %broadcast_in_dim3A_226 = vector.broadcast %broadcast_in_dim3A_225 : i32 to vector<16xi32>
      %gather3A_227 = tpu.vector_load_idx %arg10[%broadcast_in_dim3A_226, %broadcast_in_dim3A] : memref<2x128xf32, #tpu.memory_space<vmem>>[vector<16xi32>, vector<16xi32>], vector<16xf32>,
      %add3A_228 = arith.constant 1 : i32
      %add3A_229 = vector.broadcast %add3A_228 : i32 to vector<16xi32>
      %add3A_230 = arith.addi %broadcast_in_dim3A_226, %add3A_229 : vector<16xi32>
      %gather3A_231 = tpu.vector_load_idx %arg10[%add3A_230, %broadcast_in_dim3A_144] : memref<2x128xf32, #tpu.memory_space<vmem>>[vector<16xi32>, vector<16xi32>], vector<16xf32>,
      %broadcast_in_dim3A_232 = arith.constant 0.000000e+00 : f32
      %broadcast_in_dim3A_233 = vector.broadcast %broadcast_in_dim3A_232 : f32 to vector<16xf32>
      %eq3A_234 = arith.constant 0 : i32
      %eq3A_235 = vector.broadcast %eq3A_234 : i32 to vector<16xi32>
      %eq3A_236 = arith.cmpi eq, %iota3A, %eq3A_235 : vector<16xi32>
      %add3A_237 = arith.addf %gather3A_227, %gather3A_231 : vector<16xf32>
      %select_n3A_238 = arith.select %eq3A_236, %add3A_237, %broadcast_in_dim3A_233 : vector<16xi1>, vector<16xf32>
      %add3A_239 = arith.addf %add3A_224, %select_n3A_238 : vector<16xf32>
      %xor3A = arith.constant 8 : i32
      %xor3A_240 = vector.broadcast %xor3A : i32 to vector<16xi32>
      %xor3A_241 = arith.xori %iota3A, %xor3A_240 : vector<16xi32>
      %broadcast_in_dim3A_242 = vector.shape_cast %xor3A_241 : vector<16xi32> to vector<16x1xi32>
      %gather3A_243 = vector.shape_cast %broadcast_in_dim3A_242 : vector<16x1xi32> to vector<16xi32>
      %gather3A_244 = tpu.dynamic_gather %add3A_239[%gather3A_243] in [0] : vector<16xf32>, vector<16xi32> -> vector<16xf32>
      %add3A_245 = arith.addf %add3A_239, %gather3A_244 : vector<16xf32>
      %xor3A_246 = arith.constant 4 : i32
      %xor3A_247 = vector.broadcast %xor3A_246 : i32 to vector<16xi32>
      %xor3A_248 = arith.xori %iota3A, %xor3A_247 : vector<16xi32>
      %broadcast_in_dim3A_249 = vector.shape_cast %xor3A_248 : vector<16xi32> to vector<16x1xi32>
      %gather3A_250 = vector.shape_cast %broadcast_in_dim3A_249 : vector<16x1xi32> to vector<16xi32>
      %gather3A_251 = tpu.dynamic_gather %add3A_245[%gather3A_250] in [0] : vector<16xf32>, vector<16xi32> -> vector<16xf32>
      %add3A_252 = arith.addf %add3A_245, %gather3A_251 : vector<16xf32>
      %xor3A_253 = arith.constant 2 : i32
      %xor3A_254 = vector.broadcast %xor3A_253 : i32 to vector<16xi32>
      %xor3A_255 = arith.xori %iota3A, %xor3A_254 : vector<16xi32>
      %broadcast_in_dim3A_256 = vector.shape_cast %xor3A_255 : vector<16xi32> to vector<16x1xi32>
      %gather3A_257 = vector.shape_cast %broadcast_in_dim3A_256 : vector<16x1xi32> to vector<16xi32>
      %gather3A_258 = tpu.dynamic_gather %add3A_252[%gather3A_257] in [0] : vector<16xf32>, vector<16xi32> -> vector<16xf32>
      %add3A_259 = arith.addf %add3A_252, %gather3A_258 : vector<16xf32>
      %xor3A_260 = arith.constant 1 : i32
      %xor3A_261 = vector.broadcast %xor3A_260 : i32 to vector<16xi32>
      %xor3A_262 = arith.xori %iota3A, %xor3A_261 : vector<16xi32>
      %broadcast_in_dim3A_263 = vector.shape_cast %xor3A_262 : vector<16xi32> to vector<16x1xi32>
      %gather3A_264 = vector.shape_cast %broadcast_in_dim3A_263 : vector<16x1xi32> to vector<16xi32>
      %gather3A_265 = tpu.dynamic_gather %add3A_259[%gather3A_264] in [0] : vector<16xf32>, vector<16xi32> -> vector<16xf32>
      %add3A_266 = arith.addf %add3A_259, %gather3A_265 : vector<16xf32>
      %swap3A = arith.constant 0 : index
      %swap3A_267 = tpu.vector_load %arg11[%swap3A] {strides = array<i32>} : memref<16xf32, #tpu.memory_space<vmem>>, vector<16xf32>,
      tpu.vector_store %arg11[%swap3A], %add3A_266 {strides = array<i32>} : memref<16xf32, #tpu.memory_space<vmem>>, vector<16xf32>,
      "tpu.region"() ({
        %run_scoped3A = tpu.sem_alloc : memref<!tpu.dma_semaphore, #tpu.memory_space<semaphore_mem>>
        %dma_start3A_268 = arith.constant 0 : i32
        %dma_start3A_269 = tpu.memref_slice %arg11[%dma_start3A_268] : memref<16xf32, #tpu.memory_space<vmem>> -> memref<1xf32, #tpu.memory_space<vmem>>
        %dma_start3A_270 = arith.constant 0 : i32
        %dma_start3A_271 = tpu.memref_slice %arg11[%dma_start3A_270] : memref<16xf32, #tpu.memory_space<vmem>> -> memref<1xf32, #tpu.memory_space<vmem>>
        tpu.enqueue_dma source(%dma_start3A_271 : memref<1xf32, #tpu.memory_space<vmem>>) target(%arg7 : memref<1xf32, #tpu.memory_space<hbm>>) target_semaphore(%run_scoped3A : memref<!tpu.dma_semaphore, #tpu.memory_space<semaphore_mem>>)
        %dma_wait3A_272 = arith.constant 0 : i32
        %dma_wait3A_273 = tpu.memref_slice %arg11[%dma_wait3A_272] : memref<16xf32, #tpu.memory_space<vmem>> -> memref<1xf32, #tpu.memory_space<vmem>>
        %dma_wait3A_274 = arith.constant 0 : i32
        %dma_wait3A_275 = tpu.memref_slice %arg11[%dma_wait3A_274] : memref<16xf32, #tpu.memory_space<vmem>> -> memref<1xf32, #tpu.memory_space<vmem>>
        tpu.wait_dma2 semaphore(%run_scoped3A : memref<!tpu.dma_semaphore, #tpu.memory_space<semaphore_mem>>) src(%dma_wait3A_275 : memref<1xf32, #tpu.memory_space<vmem>>) dst(%arg7 : memref<1xf32, #tpu.memory_space<hbm>>)
        tpu.yield
      }) : () -> ()
    } else {
    }
    return
  }
}

</mosaic_0001>

<sc_bundles>
// kernel: kernel.3.cloned.1.call-start
scs
__scs_entry_jumppad:
0x0: {  	(pc) =	sbr.rel $0x88, $3  }
0x1: {  	(tag) =	ssettag $0x0;
	lr =	simm.s32 $0x1  }
0x2: {  	[smem:$0x3F9B] =	sst lr;
	_ =	strace $0xD0000000  }
0x3: {  	_ = 	snop  }
0x4: {  	_ = 	snop  }
0x5: {  	_ = 	snop  }
0x6: {  	_ = 	snop  }
0x7: {  	_ = 	snop  }
__scs_overlays_trampoline_lowered:
0x8: {  	[smem:$0x3FAA] =	sst s0  }
0x9: {  	[smem:$0x3FAB] =	sst s1  }
0xa: {  	[smem:$0x3FAC] =	sst s2  }
0xb: {  	[smem:$0x3FAD] =	sst s3  }
0xc: {  	[smem:$0x3FAE] =	sst s4  }
0xd: {  	[smem:$0x3FAF] =	sst s5  }
0xe: {  	[smem:$0x3FB0] =	sst s6  }
0xf: {  	[smem:$0x3FB1] =	sst s7  }
0x10: {  	[smem:$0x3FB2] =	sst s8  }
0x11: {  	[smem:$0x3FB3] =	sst s9;
	s0 =	simm.s32 @!p0 $0x0  }
0x12: {  	s1 =	sld [smem:$0x3F99];
	s0 =	simm.s32 @p0 $0x1  }
0x13: {  	[smem:$0x3FB4] =	sst s0;
	s0 =	simm.s32 @!p1 $0x0  }
0x14: {  	s2 =	sld [smem:$0x3F98];
	s0 =	simm.s32 @p1 $0x1  }
0x15: {  	[smem:$0x3FB5] =	sst s0;
	s0 =	simm.s32 @!p2 $0x0  }
0x16: {  	s3 =	sld [smem:$0x3FDB];
	s0 =	simm.s32 @p2 $0x1  }
0x17: {  	s4 =	simm.s32 $0x1BF5;
	[smem:$0x3FB7] =	sst s0  }
0x18: {  	s0 =	sld [smem:$0x3F9A];
	_ =	swait.ge [sflag:s4], $0x0  }
0x19: {  	s7 =	sld [smem:$0x3F9B]  }
0x1a: {  	s8 =	sadd.s32 $0xFFFFE003, lr  }
0x1b: {  	s9 =	sadd.s32 $0xFFFFFEF7, lr;
	s5 =	simm.s32 $0xFFFFFFFF;
	p2 =	slt.u32 s8, $0xFFFFF086  }
0x1c: {  	p1 =	slt.u32 s9, $0xF7A;
	s5 =	simm.s32 @!p2 $0x0  }
0x1d: {  	s5 =	simm.s32 @p1 $0x1;
	p0 =	seq.s32 s7, s2  }
0x1e: {  	s7 =	smul.u32 @!p0 $0xF7A, s2;
	p2 =	seq.s32 @!p0 s5, $0x0  }
0x1f: {  	s9 =	smul.u32 $0xF7A, s1;
	s8 =	simm.s32 @!p0 $0x1BF5;
	p2 =	por !p2, p0  }
0x20: {  	[sflag:s8] =	ssyncset.s32 @!p0 $0xFFFFF086;
	s6 =	sadd.s32 @!p0 s3, s7;
	s7 =	simm.s32 @!p0 $0x108  }
0x21: {  	s3 =	sadd.s32 s3, s9;
	s6 =	sadd.s32 @!p0 $0x88, s6;
	s7 =	simm.s32 @p2 $0x1082  }
0x22: {  	[simem:s7], [sflag:s8] =	dma.local @!p0 [hbm:s6], $0xF7A  }
0x23: {  	s9 =	sor.u32 $0xD0000000, s2;
	s6 =	simm.s32 $0x108;
	_ =	swait.ge @!p0 [sflag:s8], $0x0  }
0x24: {  	s3 =	sadd.s32 $0x88, s3;
	s6 =	simm.s32 @!p1 $0x1082;
	[sflag:s4] =	ssyncset.s32 $0xFFFFF086  }
0x25: {  	[simem:s6], [sflag:s4] =	dma.local [hbm:s3], $0xF7A  }
0x26: {  	[smem:$0x3F9B] =	sst s1;
	(tag) =	ssettag s2;
	_ =	strace s9  }
0x27: {  	s1 =	sld [smem:$0x3FAB]  }
0x28: {  	s2 =	sld [smem:$0x3FAC]  }
0x29: {  	s4 =	sld [smem:$0x3FAE]  }
0x2a: {  	p0 =	seq.s32 s5, $0x0;
	s5 =	sld [smem:$0x3FAF]  }
0x2b: {  	s6 =	sld [smem:$0x3FB0]  }
0x2c: {  	s7 =	sld [smem:$0x3FB1]  }
0x2d: {  	s3 =	simm.s32 $0x108;
	s8 =	sld [smem:$0x3FB2]  }
0x2e: {  	s3 =	simm.s32 @!p0 $0x1082;
	s9 =	sld [smem:$0x3FB3]  }
0x2f: {  	lr =	sadd.s32 s0, s3;
	s0 =	sld [smem:$0x3FAA]  }
0x30: {  	s3 =	sld [smem:$0x3FAD]  }
0x31: {  	[smem:$0x3FB6] =	sst s10  }
0x32: {  	s10 =	sld [smem:$0x3FB4];
	_ =	sdelay $0x3  }
0x33: {  	p0 =	seq.s32 s10, $0x1;
	s10 =	sld [smem:$0x3FB6];
	_ =	sdelay $0x3  }
0x34: {  	[smem:$0x3FB6] =	sst s10  }
0x35: {  	s10 =	sld [smem:$0x3FB5];
	_ =	sdelay $0x3  }
0x36: {  	p1 =	seq.s32 s10, $0x1;
	s10 =	sld [smem:$0x3FB6];
	_ =	sdelay $0x3  }
0x37: {  	[smem:$0x3FB6] =	sst s10  }
0x38: {  	s10 =	sld [smem:$0x3FB7]  }
0x39: {  	_ = 	snop;
	(pc) =	sbr.ind lr, $3  }
0x3a: {  	_ = 	snop  }
0x3b: {  	_ = 	snop  }
0x3c: {  	p2 =	seq.s32 s10, $0x1;
	s10 =	sld [smem:$0x3FB6]  }
0x3d: {  	_ =	shalt  }
0x3e: {  	_ =	shalt  }
0x3f: {  	_ =	shalt  }
0x40: {  	_ =	shalt  }
0x41: {  	_ =	shalt  }
0x42: {  	_ =	shalt  }
0x43: {  	_ =	shalt  }
0x44: {  	_ =	shalt  }
0x45: {  	_ =	shalt  }
0x46: {  	_ =	shalt  }
0x47: {  	_ =	shalt  }
0x48: {  	_ =	shalt  }
0x49: {  	_ =	shalt  }
0x4a: {  	_ =	shalt  }
0x4b: {  	_ =	shalt  }
0x4c: {  	_ =	shalt  }
0x4d: {  	_ =	shalt  }
0x4e: {  	_ =	shalt  }
0x4f: {  	_ =	shalt  }
0x50: {  	_ =	shalt  }
0x51: {  	_ =	shalt  }
0x52: {  	_ =	shalt  }
0x53: {  	_ =	shalt  }
0x54: {  	_ =	shalt  }
0x55: {  	_ =	shalt  }
0x56: {  	_ =	shalt  }
0x57: {  	_ =	shalt  }
0x58: {  	_ =	shalt  }
0x59: {  	_ =	shalt  }
0x5a: {  	_ =	shalt  }
0x5b: {  	_ =	shalt  }
0x5c: {  	_ =	shalt  }
0x5d: {  	_ =	shalt  }
0x5e: {  	_ =	shalt  }
0x5f: {  	_ =	shalt  }
0x60: {  	_ =	shalt  }
0x61: {  	_ =	shalt  }
0x62: {  	_ =	shalt  }
0x63: {  	_ =	shalt  }
0x64: {  	_ =	shalt  }
0x65: {  	_ =	shalt  }
0x66: {  	_ =	shalt  }
0x67: {  	_ =	shalt  }
0x68: {  	_ =	shalt  }
0x69: {  	_ =	shalt  }
0x6a: {  	_ =	shalt  }
0x6b: {  	_ =	shalt  }
0x6c: {  	_ =	shalt  }
0x6d: {  	_ =	shalt  }
0x6e: {  	_ =	shalt  }
0x6f: {  	_ =	shalt  }
0x70: {  	_ =	shalt  }
0x71: {  	_ =	shalt  }
0x72: {  	_ =	shalt  }
0x73: {  	_ =	shalt  }
0x74: {  	_ =	shalt  }
0x75: {  	_ =	shalt  }
0x76: {  	_ =	shalt  }
0x77: {  	_ =	shalt  }
0x78: {  	_ =	shalt  }
0x79: {  	_ =	shalt  }
0x7a: {  	_ =	shalt  }
0x7b: {  	_ =	shalt  }
0x7c: {  	_ =	shalt  }
0x7d: {  	_ =	shalt  }
0x7e: {  	_ =	shalt  }
0x7f: {  	_ =	shalt  }
0x80: {  	_ =	shalt  }
0x81: {  	_ =	shalt  }
0x82: {  	_ =	shalt  }
0x83: {  	_ =	shalt  }
0x84: {  	_ =	shalt  }
0x85: {  	_ =	shalt  }
0x86: {  	_ =	shalt  }
0x87: {  	_ =	shalt  }
.Lfunc_end0:
.L_simem_size_0:
called_computation_lowered:
.L_overlay_start_0:
0x88: {  	s0 =	sld [smem:$0x3FD9]  }
0x89: {  	s1 =	sld [smem:$0x3FFE];
	_ =	sdelay $0x3  }
0x8a: {  	s0 =	sadd.s32 s1, s0  }
0x8b: {  	[smem:$0x3FC2] =	sst s0  }
0x8c: {  	_ = 	snop  }
0x8d: {  	s0 =	sld [smem:$0x3FC7]  }
0x8e: {  	s16 =	sld [smem:$0x3FC6]  }
0x8f: {  	s2 =	sld [smem:$0x3FC5]  }
0x90: {  	s3 =	sld [smem:$0x3FC4]  }
0x91: {  	s4 =	sld [smem:$0x3FD0];
	(tm) =	ssettm $0x1  }
0x92: {  	s5 =	sld [smem:$0x3FFB];
	_ =	sdelay $0x3  }
0x93: {  	_ =	strace s5  }
0x94: {  	s5 =	sld [smem:$0x3FFC];
	_ =	sdelay $0x3  }
0x95: {  	_ =	strace s5  }
0x96: {  	s5 =	sld [smem:$0x3FFD];
	_ =	sdelay $0x3  }
0x97: {  	_ =	strace s5  }
0x98: {  	_ =	strace $0x8FFFFFFF  }
0x99: {  	s17 =	sld [smem:$0x3FDB];
	_ =	sdelay $0x1  }
0x9a: {  	s6 =	simm.s32 $_scs_section_size  }
0x9b: {  	s7 =	simm.s32 $_size__tile_overlayer_lowered;
	s8 =	simm.s32 $_tile_overlayer_lowered  }
0x9c: {  	s20 =	simm.s32 $0x1BFF;
	s19 =	sshll.u32 s8, $0x1;
	s5 =	sadd.s32 s6, s17  }
0x9d: {  	s9 =	simm.s32 $0x0;
	s18 =	sshll.u32 s7, $0x1;
	s7 =	sadd.s32 s19, s5  }
0x9e: {  	[timem:s9], [sflag:s20] =	dma.local [hbm:s7], s18  }
0x9f: {  	_ =	swait.ge [sflag:s20], s18  }
0xa0: {  	s6 =	ssub.s32 $0x0, s18;
	[sflag:s20] =	ssyncset.done $0x0  }
0xa1: {  	[sflag:s20] =	ssyncadd.s32 s6;
	_ =	sdelay $0x1  }
0xa2: {  	s21 =	simm.s32 $0x1B8B  }
0xa3: {  	_ =	swait.ge [sflag:s21], $0x1  }
0xa4: {  	[sflag:s21] =	ssyncset.done $0x0  }
0xa5: {  	s23 =	simm.s32 $0x1B8E;
	s22 =	sld [smem:$0x3FFE];
	[sflag:s21] =	ssyncadd.s32 $0xFFFFFFFF  }
0xa6: {  	s24 =	simm.s32 $execute0_lowered;
	[smem:$0x3FD2] =	sst s23  }
0xa7: {  	s7 =	sshll.u32 s24, $0x1;
	_ =	strace $0x80000046;
	[dreg:$0x1] =	wrdreg $0xFFFFFFFF  }
0xa8: {  	s25 =	simm.s32 $_size_execute0_lowered;
	s5 =	sadd.s32 s5, s7;
	[dreg:$0x0] =	wrdreg $0x0  }
0xa9: {  	s7 =	sshll.u32 s25, $0x1;
	[dreg:$0x2] =	wrdreg s5  }
0xaa: {  	[dreg:$0x3] =	wrdreg s7  }
0xab: {  	[dreg:$0x4] =	wrdreg $0xC0  }
0xac: {  	_ =	task [dreg:s9], $0x5FFFF  }
0xad: {  	[dreg:$0x1] =	wrdreg $0xFFFFFFFF  }
0xae: {  	[dreg:$0x0] =	wrdreg $0x60  }
0xaf: {  	[dreg:$0x2] =	wrdreg s22  }
0xb0: {  	[dreg:$0x3] =	wrdreg s0  }
0xb1: {  	[dreg:$0x4] =	wrdreg s16  }
0xb2: {  	[dreg:$0x5] =	wrdreg s2  }
0xb3: {  	[dreg:$0x6] =	wrdreg s3  }
0xb4: {  	[dreg:$0x7] =	wrdreg s4  }
0xb5: {  	[dreg:$0x8] =	wrdreg $0x9  }
0xb6: {  	_ =	task.clear_ibuf [dreg:s9], $0x9FFFF;
	_ =	strace $0x90000046  }
0xb7: {  	s26 =	simm.s32 $0x9;
	_ =	strace $0x80000048  }
0xb8: {  	_ =	swait.ge [sflag:s26], $0x1  }
0xb9: {  	[sflag:s26] =	ssyncadd.s32 $0xFFFFFFFF  }
0xba: {  	_ =	strace $0x90000048  }
0xbb: {  	_ =	sfence  }
0xbc: {  	s28 =	sld [smem:$0x0];
	_ =	sdelay $0x1  }
0xbd: {  	s29 =	srdreg.scid  }
0xbe: {  	s30 =	sshll.u32 s29, $0xD;
	s31 =	sshrl.u32 s29, $0x2  }
0xbf: {  	s1 =	sand.u32 $0x1, s29;
	s2 =	sand.u32 $0x4000, s30;
	s0 =	sadd.s32 s31, s28  }
0xc0: {  	s1 =	sor.u32 s2, s1;
	s0 =	sshll.u32 s0, $0x11  }
0xc1: {  	s0 =	sor.u32 s0, s1  }
0xc2: {  	s0 =	sadd.s32 $0x8F2B, s0  }
0xc3: {  	[sflag:s0] =	ssyncadd.remote.s32 $0x1  }
0xc4: {  	_ =	sfence.sel $0xFFFF  }
0xc5: {  	[dreg:$0x0] =	wrdreg $0xFFFFFFFF;
	(pc) =	sbr.abs _section_cstart, $3  }
0xc6: {  	[dreg:$0x1] =	wrdreg $0xFFFFFFFF  }
0xc7: {  	_ =	task.clear_ibuf [dreg:s9], $0x2FFFF;
	_ =	strace $0x9FFFFFFF  }
0xc8: {  	(tm) =	ssettm $0x7FFFFFFF  }
0xc9: {  	_ =	shalt  }
tec
execute0_lowered:
.L_overlay_start_1:
0x0: {  	(tag) =	ssettag $0x1  }
0x1: {  	s3 =	rddreg [dreg:$0x0]  }
0x2: {  	s7 =	rddreg [dreg:$0x1];
	s8 =	stileid.u32  }
0x3: {  	s6 =	rddreg [dreg:$0x2];
	p0 =	sne.s32 s8, $0x0  }
.Ltmp0:
0x4: {  	s5 =	rddreg [dreg:$0x3];
	(pc) =	sbr.rel @p0 .LBB2_2-.Ltmp0, $4  }
0x5: {  	s4 =	rddreg [dreg:$0x4]  }
0x6: {  	s1 =	rddreg [dreg:$0x5];
	s2 =	simm.s32 $0x0  }
0x7: {  	[smem:$0x7FF] =	sst s2  }
0x8: {  	s0 =	rddreg [dreg:$0x6];
	_ =	strace $0x80000047  }
0x9: {  	s3 =	sadd.s32 $0x600, s3  }
0xa: {  	[tilespmem:s2], [sflag:$0x2] =	stream.linear.gather [hbm4b:s3+s2], $0x2, $0x38;
	[tilespmem:$0x4200] =	vst v63  }
0xb: {  	s3 =	simm.s32 $0x2  }
0xc: {  	_ =	swait.ge [sflag:s3], $0x2  }
0xd: {  	[sflag:s3] =	ssyncset.done $0x0  }
0xe: {  	[sflag:s3] =	ssyncadd.s32 $0xFFFFFFFE  }
0xf: {  	v0 =	vld [tilespmem:$0x0];
	_ =	sdelay $0x4  }
0x10: {  	(v2sf) =	vpush v0, $0x0;
	_ =	sdelay $0x1  }
0x11: {  	(v2sf) =	vpush v0, $0x1;
	_ =	sdelay $0xc  }
0x12: {  	s11 =	simm.s32 $0x1;
	s20 =	simm.s32 $0x400;
	s8 =	spop (v2sf)  }
0x13: {  	s9 =	sand.u32 $0x7F, s8;
	s10 =	sshra.s32 s8, $0x1F;
	p1 =	slt.s32 s8, $0x1  }
0x14: {  	s31 =	spop (v2sf);
	p2 =	sne.s32 s9, $0x0;
	s10 =	sshrl.u32 s10, $0x19  }
0x15: {  	s12 =	sand.u32 $0x7F, s31;
	s13 =	sshra.s32 s31, $0x1F;
	p5 =	slt.s32 s31, $0x1  }
0x16: {  	p1 =	por !p1, !p2;
	s10 =	sadd.s32 s10, s8;
	p6 =	sne.s32 s12, $0x0  }
0x17: {  	s17 =	sshrl.u32 s13, $0x19;
	s12 =	simm.s32 $0x1;
	p1 =	por !p1, !p1  }
0x18: {  	s10 =	sshra.s32 s10, $0x7;
	s11 =	simm.s32 @!p1 $0x0;
	p1 =	por !p5, !p6  }
0x19: {  	s10 =	ssub.s32 s10, s11;
	s11 =	sadd.s32 s17, s31;
	p1 =	por !p1, !p1  }
0x1a: {  	s18 =	sshll.u32 s10, $0x7;
	s11 =	sshra.s32 s11, $0x7;
	s12 =	simm.s32 @!p1 $0x0  }
0x1b: {  	s15 =	simm.s32 $0xC3800;
	s11 =	ssub.s32 s11, s12;
	s19 =	sand.u32 $0x1FFFFF80, s18  }
0x1c: {  	s16 =	simm.s32 $0x80;
	s14 =	sshll.u32 s11, $0x7;
	s7 =	sadd.s32 s7, s19  }
0x1d: {  	[tilespmem:s16], [sflag:$0x1] =	stream.strided.gather [hbm4b:s7+s20], $0x2000, s15, s20, $0x38;
	[tilespmem:$0x4200] =	vst v63  }
0x1e: {  	s21 =	sand.u32 $0x1FFFFF80, s14  }
0x1f: {  	s22 =	simm.s32 $0x2080;
	s23 =	sshll.u32 s10, $0x4;
	s6 =	sadd.s32 s6, s21  }
0x20: {  	[tilespmem:s22], [sflag:$0x1] =	stream.strided.gather [hbm4b:s6+s20], $0x2000, s15, s20, $0x38;
	[tilespmem:$0x4200] =	vst v63  }
0x21: {  	s6 =	sand.u32 $0x1FFFFFF0, s23  }
0x22: {  	s24 =	simm.s32 $0x4080;
	s25 =	sshll.u32 s11, $0x4;
	s5 =	sadd.s32 s5, s6  }
0x23: {  	[tilespmem:s24], [sflag:$0x1] =	stream.linear.gather [hbm4b:s5+s2], $0x80, $0x38;
	[tilespmem:$0x4200] =	vst v63  }
0x24: {  	s5 =	sand.u32 $0x1FFFFFF0, s25  }
0x25: {  	s26 =	simm.s32 $0x1;
	s28 =	simm.s32 $0x4100;
	s4 =	sadd.s32 s4, s5  }
0x26: {  	[tilespmem:s28], [sflag:$0x1] =	stream.linear.gather [hbm4b:s4+s2], $0x80, $0x38;
	[tilespmem:$0x4200] =	vst v63  }
0x27: {  	_ =	swait.ge [sflag:s26], $0x2000  }
0x28: {  	[sflag:s26] =	ssyncset.done $0x0  }
0x29: {  	[sflag:s26] =	ssyncadd.s32 $0xFFFFE000  }
0x2a: {  	_ =	swait.ge [sflag:s26], $0x2000  }
0x2b: {  	v47 =	vlaneseq.u32;
	[sflag:s26] =	ssyncset.done $0x0  }
0x2c: {  	v0 =	vmul.u32 $0x80, v47;
	[sflag:s26] =	ssyncadd.s32 $0xFFFFE000  }
0x2d: {  	s29 =	ssub.s32 s8, s18;
	_ =	swait.ge [sflag:s26], $0x80  }
0x2e: {  	v1 =	vadd.s32 s29, v0;
	s30 =	ssub.s32 s31, s14;
	[sflag:s26] =	ssyncset.done $0x0  }
0x2f: {  	v3 =	vor.u32 $0x800, v0;
	v2 =	vadd.s32 s30, v0;
	[sflag:s26] =	ssyncadd.s32 $0xFFFFFF80  }
0x30: {  	v4 =	vadd.s32 s29, v3;
	_ =	swait.ge [sflag:s26], $0x80  }
0x31: {  	v5 =	vor.u32 $0x1000, v0;
	v3 =	vadd.s32 s30, v3;
	[sflag:s26] =	ssyncset.done $0x0  }
0x32: {  	v6 =	vadd.s32 s29, v5;
	[sflag:s26] =	ssyncadd.s32 $0xFFFFFF80  }
0x33: {  	v5 =	vadd.s32 s30, v5;
	v0 =	vor.u32 $0x1800, v0;
	v1 =	vld.idx.msk [tilespmem:v1+s16+$0x0], $0xffff  }
0x34: {  	v7 =	vadd.s32 s29, v0;
	v2 =	vld.idx.msk [tilespmem:v2+s22+$0x0], $0xffff  }
0x35: {  	v0 =	vadd.s32 s30, v0;
	v4 =	vld.idx.msk [tilespmem:v4+s16+$0x0], $0xffff  }
0x36: {  	v8 =	vmov s29;
	v9 =	vmov s30;
	v3 =	vld.idx.msk [tilespmem:v3+s22+$0x0], $0xffff  }
0x37: {  	v9 =	vadd.s32 $0x80, v9;
	v6 =	vld.idx.msk [tilespmem:v6+s16+$0x0], $0xffff  }
0x38: {  	v5 =	vld.idx.msk [tilespmem:v5+s22+$0x0], $0xffff  }
0x39: {  	v48 =	vld.idx.msk [tilespmem:v7+s16+$0x0], $0xffff  }
0x3a: {  	v0 =	vld.idx.msk [tilespmem:v0+s22+$0x0], $0xffff  }
0x3b: {  	v49 =	vld.idx.msk [tilespmem:v8+s24+$0x0], $0xffff;
	v1 =	vmul.f32 v2, v1  }
0x3c: {  	v50 =	vld.idx.msk [tilespmem:v9+s24+$0x0], $0xffff  }
0x3d: {  	v3 =	vmul.f32 v3, v4;
	v1 =	vadd.f32 $0.0e+00, v1  }
0x3e: {  	v52 =	vimm.s32 $0xFEDCBA98;
	v53 =	vimm.s32 $0x76543210  }
0x3f: {  	v51 =	vmul.f32 v5, v6;
	v1 =	vadd.f32 v3, v1;
	v3 =	vunpack.c.l.s4.s8 v52  }
0x40: {  	vm0 =	vmmov $0x1;
	v0 =	vmul.f32 v0, v48;
	v2 =	vunpack.c.l.s4.s8 v53  }
0x41: {  	v4 =	vadd.f32 v50, v49;
	v1 =	vadd.f32 v51, v1;
	v54 =	vunpack.c.0.s8.s32 v3  }
0x42: {  	v56 =	vimm.s32 $0xBA98FEDC;
	v57 =	vimm.s32 $0x32107654;
	v2 =	vunpack.c.0.s8.s32 v2  }
0x43: {  	v55 =	vnsel vm0, $0x0, v4;
	v0 =	vadd.f32 v0, v1;
	v1 =	vand.u32 $0xF, v54  }
0x44: {  	v3 =	vunpack.c.l.s4.s8 v57;
	v1 =	vcombine.low v1, v2;
	v2 =	vunpack.c.l.s4.s8 v56  }
0x45: {  	v0 =	vadd.f32 v55, v0  }
0x46: {  	v3 =	vunpack.c.0.s8.s32 v3;
	v2 =	vunpack.c.0.s8.s32 v2  }
0x47: {  	v1 =	vperm.xlane v0, v1  }
0x48: {  	v59 =	vimm.s32 $0xDCFE98BA;
	v60 =	vimm.s32 $0x54761032;
	v58 =	vcombine.low v3, v2  }
0x49: {  	v2 =	vunpack.c.l.s4.s8 v59;
	v3 =	vunpack.c.l.s4.s8 v60;
	v0 =	vadd.f32 v0, v1  }
0x4a: {  	v62 =	vimm.s32 $0x67452301  }
0x4b: {  	v2 =	vunpack.c.0.s8.s32 v2;
	v3 =	vunpack.c.0.s8.s32 v3;
	v1 =	vperm.xlane v0, v58  }
0x4c: {  	v61 =	vimm.s32 $0xEFCDAB89;
	v63 =	vunpack.c.l.s4.s8 v62  }
0x4d: {  	v2 =	vcombine.low v3, v2;
	v0 =	vadd.f32 v0, v1;
	v1 =	vunpack.c.l.s4.s8 v61;
	_ =	sdelay $0x1  }
0x4e: {  	v3 =	vunpack.c.0.s8.s32 v63;
	v2 =	vperm.xlane v0, v2;
	v1 =	vunpack.c.0.s8.s32 v1;
	_ =	sdelay $0x1  }
0x4f: {  	v0 =	vadd.f32 v0, v2;
	v1 =	vcombine.low v3, v1;
	_ =	sdelay $0x1  }
0x50: {  	v1 =	vperm.xlane v0, v1;
	_ =	sdelay $0x1  }
0x51: {  	v0 =	vadd.f32 v0, v1;
	_ =	sdelay $0x1  }
0x52: {  	s31 =	simm.s32 $0x4180;
	[tilespmem:$0x4180] =	vst v0  }
0x53: {  	[hbm4b:s1+s2] =	stream.linear.scatter [tilespmem:s31], [sflag:$0x2], $0x1, $0x38;
	[tilespmem:$0x4200] =	vst v63  }
0x54: {  	_ =	swait.ge [sflag:s3], $0x1  }
0x55: {  	[sflag:s3] =	ssyncset.done $0x0  }
0x56: {  	[sflag:s3] =	ssyncadd.s32 $0xFFFFFFFF  }
.LBB2_2:
0x57: {  	_ =	sfence.sel $0x180000  }
0x58: {  	[bflag:$0x0] =	sbarrier.arrive $0xFFFF  }
0x59: {  	_ =	strace $0x90000047  }
0x5a: {  	s0 =	sadd.s32 @!p0 $0x100000, s0;
	[bflag:$0x2] =	sbarrier.arrive $0xFFFF  }
0x5b: {  	[sflag:s0] =	ssyncadd.tile.s32 @!p0 $0x1;
	_ =	shalt  }
.Lfunc_end2:
_tile_overlayer_lowered:
.L_overlay_start_2:
0x5c: {  	(tag) =	ssettag $0x2  }
0x5d: {  	s0 =	rddreg [dreg:$0x0];
	s2 =	stileid.u32  }
0x5e: {  	s1 =	rddreg [dreg:$0x1];
	p0 =	sne.s32 s2, $0x0  }
0x5f: {  	s3 =	rddreg [dreg:$0x2];
	[bflag:$0x3] =	sbarrier.arrive $0xFFFF;
	s2 =	simm.s32 @!p0 $0x1C02  }
0x60: {  	[timem:s3], [sflag:s2] =	dma.local @!p0 [hbm:s0], s1  }
0x61: {  	s0 =	simm.s32 @!p0 $0x2  }
0x62: {  	_ =	swait.ge @!p0 [sflag:s0], s1  }
0x63: {  	s1 =	ssub.s32 @!p0 $0x0, s1;
	[sflag:s0] =	ssyncset.done @!p0 $0x0  }
0x64: {  	[sflag:s0] =	ssyncadd.s32 @!p0 s1  }
0x65: {  	[bflag:$0x3] =	sbarrier.arrive $0xFFFF  }
0x66: {  	_ =	shalt  }

</sc_bundles>
